<compile_context>
chip_gen: v7x
topology: tpu7x:2x2x1
jax: 0.10.2.dev20260603
libtpu: 0.0.44.dev20260713+nightly
codegen_flags: <defaults>
</compile_context>

<pallas_src>
import functools

import jax
import jax.numpy as jnp
from jax import lax
from jax.experimental import pallas as pl
from jax.experimental.pallas import tpu as pltpu
from jax.experimental.pallas import tpu_sc as plsc

_N = 16384
_DIM = 768
_SD = 64
_H = 128
_K = 1024
_LR = 0.01
_BLK = 1024
_NBLK = _N // _BLK

_NC = 2
_NS = 16
_NW = _NC * _NS
_RPW = _N // _NW
_SPT = _K // _NS


def _enc_body(x_ref, w1t_ref, b1_ref, w2tp_ref, b2p_ref, st_ref,
              ep_ref, asg_ref):
    x = x_ref[...]
    h = jnp.maximum(
        jnp.dot(x, w1t_ref[...], preferred_element_type=jnp.float32)
        + b1_ref[...], 0.0)
    ep = (jnp.dot(h, w2tp_ref[...], preferred_element_type=jnp.float32)
          + b2p_ref[...])
    ep_ref[...] = ep

    stp = st_ref[...]
    n2sq = jnp.sum(stp * stp, axis=0, keepdims=True)
    invn2 = 1.0 / jnp.maximum(jnp.sqrt(n2sq), 1e-30)
    dot = jnp.dot(ep, stp, preferred_element_type=jnp.float32)
    sims = dot * invn2

    rowmax = jnp.max(sims, axis=1, keepdims=True)
    kiota = jax.lax.broadcasted_iota(jnp.int32, (_BLK, _K), 1)
    masked_idx = jnp.where(sims == rowmax, kiota, _K)
    asg_ref[...] = jnp.min(masked_idx, axis=1, keepdims=True)


def _sc_seg(ep_hbm, idx_hbm, zeros_hbm, out_hbm, idx_v, rows_v, shared):
    cid = lax.axis_index("c")
    sid = lax.axis_index("s")
    wid = cid * _NS + sid
    base = wid * _RPW
    pltpu.sync_copy(zeros_hbm, shared.at[pl.ds(sid * _SPT, _SPT)])
    pltpu.sync_copy(idx_hbm.at[pl.ds(base, _RPW)], idx_v)
    pltpu.sync_copy(ep_hbm.at[pl.ds(base, _RPW)], rows_v)
    plsc.subcore_barrier()
    pltpu.sync_copy(rows_v, shared.at[idx_v], add=True)
    plsc.subcore_barrier()
    pltpu.sync_copy(shared.at[pl.ds(sid * _SPT, _SPT)],
                    out_hbm.at[pl.ds(cid * _K + sid * _SPT, _SPT)])


def _upd_body(p0_ref, p1_ref, schemas_ref, usage_ref,
              ns_ref, nu_ref, cnt_ref, mn_ref):
    acc = p0_ref[...] + p1_ref[...]
    lane_k = jax.lax.broadcasted_iota(jnp.int32, (_K, _H), 1)
    counts = jnp.sum(jnp.where(lane_k == _SD, acc, 0.0), axis=1,
                     keepdims=True)
    maxc = jnp.maximum(counts, 1.0)
    target = acc / maxc
    active = counts > 0.0
    delta = jnp.where(jnp.logical_and(active, lane_k < _SD),
                      _LR * (target - schemas_ref[...]), 0.0)
    ns_ref[...] = schemas_ref[...] + delta
    nu_ref[...] = usage_ref[...] + counts
    nrm = jnp.sqrt(jnp.sum(delta * delta, axis=1, keepdims=True))
    activef = active.astype(jnp.float32)
    num_up = jnp.sum(activef, axis=0, keepdims=True)
    cnt_ref[...] = num_up.astype(jnp.int32)
    mn_ref[...] = (jnp.sum(jnp.where(active, nrm, 0.0), axis=0,
                           keepdims=True)
                   / jnp.maximum(num_up, 1.0))


def kernel(episodic_traces, W1, b1, W2, b2, schemas, schema_usage):
    f32 = jnp.float32
    w1t = W1.T
    w2tp = jnp.zeros((_H, _H), f32).at[:, :_SD].set(W2.T)
    b2p = jnp.zeros((1, _H), f32).at[0, :_SD].set(b2).at[0, _SD].set(1.0)
    st_pad = jnp.zeros((_H, _K), f32).at[:_SD, :].set(schemas.T)
    schemas_pad = jnp.zeros((_K, _H), f32).at[:, :_SD].set(schemas)
    usage2 = schema_usage[:, None]

    const = lambda *_: (0, 0)
    ep, asg = pl.pallas_call(
        _enc_body,
        grid=(_NBLK,),
        in_specs=[
            pl.BlockSpec((_BLK, _DIM), lambda i: (i, 0)),
            pl.BlockSpec((_DIM, _H), const),
            pl.BlockSpec((1, _H), const),
            pl.BlockSpec((_H, _H), const),
            pl.BlockSpec((1, _H), const),
            pl.BlockSpec((_H, _K), const),
        ],
        out_specs=[
            pl.BlockSpec((_BLK, _H), lambda i: (i, 0)),
            pl.BlockSpec((_BLK, 1), lambda i: (i, 0)),
        ],
        out_shape=[
            jax.ShapeDtypeStruct((_N, _H), f32),
            jax.ShapeDtypeStruct((_N, 1), jnp.int32),
        ],
    )(episodic_traces, w1t, b1[None, :], w2tp, b2p, st_pad)

    sc_call = functools.partial(
        pl.kernel,
        out_type=jax.ShapeDtypeStruct((_NC * _K, _H), f32),
        mesh=plsc.VectorSubcoreMesh(core_axis_name="c", subcore_axis_name="s"),
        scratch_types=[
            pltpu.VMEM((_RPW,), jnp.int32),
            pltpu.VMEM((_RPW, _H), f32),
            pltpu.VMEM_SHARED((_K, _H), f32),
        ],
    )
    partials = sc_call(_sc_seg)(ep, asg[:, 0],
                                jnp.zeros((_SPT, _H), f32))

    out = pl.pallas_call(
        _upd_body,
        out_shape=[
            jax.ShapeDtypeStruct((_K, _H), f32),
            jax.ShapeDtypeStruct((_K, 1), f32),
            jax.ShapeDtypeStruct((1, 1), jnp.int32),
            jax.ShapeDtypeStruct((1, 1), f32),
        ],
    )(partials[:_K], partials[_K:], schemas_pad, usage2)
    ns_pad, nu2, cnt, mn = out
    return (ns_pad[:, :_SD], nu2[:, 0], cnt[0, 0], mn[0, 0])

# --- scband reference (transcript-rebuilt; emitter-appended) ---
"""Pipeline reference for scband-neocortical-module-24043226923366 (READ-ONLY COPY).

The authoritative reference and input builder live on the scoring server;
editing this copy changes nothing except your own understanding.
"""

import jax, jax.numpy as jnp
import numpy as np

N = 16384
DIM = 768
SCHEMA_DIM = 64
NUM_SCHEMAS = 1024
LR = 0.01


def setup_inputs(seed: int = 0) -> dict:
    key = jax.random.key(seed)
    ks = jax.random.split(key, 6)
    episodic_traces = jax.random.normal(ks[0], (N, DIM), dtype=jnp.float32)
    # schema_encoder: Linear(dim, 2*schema_dim) -> ReLU -> Linear(2*schema_dim, schema_dim)
    W1 = jax.random.normal(ks[1], (SCHEMA_DIM * 2, DIM), dtype=jnp.float32) * (1.0 / np.sqrt(DIM))
    b1 = jnp.zeros((SCHEMA_DIM * 2,), dtype=jnp.float32)
    W2 = jax.random.normal(ks[2], (SCHEMA_DIM, SCHEMA_DIM * 2), dtype=jnp.float32) * (1.0 / np.sqrt(SCHEMA_DIM * 2))
    b2 = jnp.zeros((SCHEMA_DIM,), dtype=jnp.float32)
    # buffers
    schemas = jax.random.normal(ks[3], (NUM_SCHEMAS, SCHEMA_DIM), dtype=jnp.float32) * 0.01
    schema_usage = jnp.zeros((NUM_SCHEMAS,), dtype=jnp.float32)
    return {
        'episodic_traces': episodic_traces,
        'W1': W1, 'b1': b1, 'W2': W2, 'b2': b2,
        'schemas': schemas, 'schema_usage': schema_usage,
    }


def reference(episodic_traces, W1, b1, W2, b2, schemas, schema_usage):
    # encoder MLP
    h = jnp.maximum(episodic_traces @ W1.T + b1, 0.0)
    encoded = h @ W2.T + b2  # (N, schema_dim)
    # cosine similarity between encoded (N, d) and schemas (K, d)
    n1 = jnp.linalg.norm(encoded, axis=-1, keepdims=True)       # (N, 1)
    n2 = jnp.linalg.norm(schemas, axis=-1, keepdims=True)       # (K, 1)
    sims = (encoded @ schemas.T) / jnp.maximum(n1 * n2.T, 1e-8)  # (N, K)
    assignments = jnp.argmax(sims, axis=-1)                      # (N,) int
    # per-schema mean of assigned encodings via segment reduce
    ones = jnp.ones((encoded.shape[0],), dtype=jnp.float32)
    counts = jax.ops.segment_sum(ones, assignments, num_segments=NUM_SCHEMAS)         # (K,)
    sums = jax.ops.segment_sum(encoded, assignments, num_segments=NUM_SCHEMAS)        # (K, d)
    active = counts > 0
    target = sums / jnp.maximum(counts, 1.0)[:, None]
    delta = jnp.where(active[:, None], LR * (target - schemas), 0.0)
    new_schemas = schemas + delta
    new_usage = schema_usage + counts
    num_updated = jnp.sum(active.astype(jnp.int32))
    norms = jnp.linalg.norm(delta, axis=-1)
    mean_update_norm = jnp.sum(jnp.where(active, norms, 0.0)) / jnp.maximum(num_updated.astype(jnp.float32), 1.0)
    return (new_schemas, new_usage, num_updated, mean_update_norm)

if __name__ == "__main__":
    import jax
    _d = setup_inputs()
    print(jax.jit(kernel)(*tuple(_d.values())))

</pallas_src>

<mosaic_0001>
#map = affine_map<(d0, d1) -> (0, 0)>
#map1 = affine_map<(d0, d1) -> (0)>
module attributes {stable_mosaic.version = 14 : i64} {
  func.func @_sc_seg(%arg0: i32, %arg1: i32, %arg2: memref<16384x128xf32, #tpu.memory_space<hbm>>, %arg3: memref<16384xi32, #tpu.memory_space<hbm>>, %arg4: memref<64x128xf32, #tpu.memory_space<hbm>>, %arg5: memref<2048x128xf32, #tpu.memory_space<hbm>>, %arg6: memref<512xi32, #tpu.memory_space<vmem>>, %arg7: memref<512x128xf32, #tpu.memory_space<vmem>>, %arg8: memref<1024x128xf32, #tpu.memory_space<vmem_shared>>) attributes {dimension_semantics = [#tpu.dimension_semantics<core_parallel>, #tpu.dimension_semantics<subcore_parallel>], iteration_bounds = array<i64: 2, 16>, scalar_prefetch = 0 : i64, scratch_operands = 3 : i64, tpu.core_type = #tpu.core_type<sc_vector_subcore>, window_params = [{transform_indices = #map}, {transform_indices = #map1}, {transform_indices = #map}, {transform_indices = #map}]} {
    %mul3A = arith.constant 16 : i32
    %mul3A_0 = arith.muli %arg0, %mul3A : i32
    %add3A = arith.addi %mul3A_0, %arg1 : i32
    %mul3A_1 = arith.constant 512 : i32
    %mul3A_2 = arith.muli %add3A, %mul3A_1 : i32
    %mul3A_3 = arith.constant 64 : i32
    %mul3A_4 = arith.muli %arg1, %mul3A_3 : i32
    "tpu.region"() ({
      %run_scoped3A = tpu.sem_alloc : memref<!tpu.dma_semaphore, #tpu.memory_space<semaphore_mem>>
      %dma_start3A = arith.constant 0 : i32
      %dma_start3A_13 = tpu.memref_slice %arg8[%mul3A_4, %dma_start3A] : memref<1024x128xf32, #tpu.memory_space<vmem_shared>> -> memref<64x128xf32, #tpu.memory_space<vmem_shared>>
      tpu.enqueue_dma source(%arg4 : memref<64x128xf32, #tpu.memory_space<hbm>>) target(%dma_start3A_13 : memref<64x128xf32, #tpu.memory_space<vmem_shared>>) target_semaphore(%run_scoped3A : memref<!tpu.dma_semaphore, #tpu.memory_space<semaphore_mem>>)
      %dma_wait3A = arith.constant 0 : i32
      %dma_wait3A_14 = tpu.memref_slice %arg8[%mul3A_4, %dma_wait3A] : memref<1024x128xf32, #tpu.memory_space<vmem_shared>> -> memref<64x128xf32, #tpu.memory_space<vmem_shared>>
      tpu.wait_dma2 semaphore(%run_scoped3A : memref<!tpu.dma_semaphore, #tpu.memory_space<semaphore_mem>>) src(%arg4 : memref<64x128xf32, #tpu.memory_space<hbm>>) dst(%dma_wait3A_14 : memref<64x128xf32, #tpu.memory_space<vmem_shared>>)
      tpu.yield
    }) : () -> ()
    "tpu.region"() ({
      %run_scoped3A = tpu.sem_alloc : memref<!tpu.dma_semaphore, #tpu.memory_space<semaphore_mem>>
      %dma_start3A = tpu.memref_slice %arg3[%mul3A_2] : memref<16384xi32, #tpu.memory_space<hbm>> -> memref<512xi32, #tpu.memory_space<hbm>>
      %dma_start3A_13 = tpu.memref_slice %arg3[%mul3A_2] : memref<16384xi32, #tpu.memory_space<hbm>> -> memref<512xi32, #tpu.memory_space<hbm>>
      tpu.enqueue_dma source(%dma_start3A_13 : memref<512xi32, #tpu.memory_space<hbm>>) target(%arg6 : memref<512xi32, #tpu.memory_space<vmem>>) target_semaphore(%run_scoped3A : memref<!tpu.dma_semaphore, #tpu.memory_space<semaphore_mem>>)
      %dma_wait3A = tpu.memref_slice %arg3[%mul3A_2] : memref<16384xi32, #tpu.memory_space<hbm>> -> memref<512xi32, #tpu.memory_space<hbm>>
      %dma_wait3A_14 = tpu.memref_slice %arg3[%mul3A_2] : memref<16384xi32, #tpu.memory_space<hbm>> -> memref<512xi32, #tpu.memory_space<hbm>>
      tpu.wait_dma2 semaphore(%run_scoped3A : memref<!tpu.dma_semaphore, #tpu.memory_space<semaphore_mem>>) src(%dma_wait3A_14 : memref<512xi32, #tpu.memory_space<hbm>>) dst(%arg6 : memref<512xi32, #tpu.memory_space<vmem>>)
      tpu.yield
    }) : () -> ()
    "tpu.region"() ({
      %run_scoped3A = tpu.sem_alloc : memref<!tpu.dma_semaphore, #tpu.memory_space<semaphore_mem>>
      %dma_start3A = arith.constant 0 : i32
      %dma_start3A_13 = tpu.memref_slice %arg2[%mul3A_2, %dma_start3A] : memref<16384x128xf32, #tpu.memory_space<hbm>> -> memref<512x128xf32, #tpu.memory_space<hbm>>
      %dma_start3A_14 = arith.constant 0 : i32
      %dma_start3A_15 = tpu.memref_slice %arg2[%mul3A_2, %dma_start3A_14] : memref<16384x128xf32, #tpu.memory_space<hbm>> -> memref<512x128xf32, #tpu.memory_space<hbm>>
      tpu.enqueue_dma source(%dma_start3A_15 : memref<512x128xf32, #tpu.memory_space<hbm>>) target(%arg7 : memref<512x128xf32, #tpu.memory_space<vmem>>) target_semaphore(%run_scoped3A : memref<!tpu.dma_semaphore, #tpu.memory_space<semaphore_mem>>)
      %dma_wait3A = arith.constant 0 : i32
      %dma_wait3A_16 = tpu.memref_slice %arg2[%mul3A_2, %dma_wait3A] : memref<16384x128xf32, #tpu.memory_space<hbm>> -> memref<512x128xf32, #tpu.memory_space<hbm>>
      %dma_wait3A_17 = arith.constant 0 : i32
      %dma_wait3A_18 = tpu.memref_slice %arg2[%mul3A_2, %dma_wait3A_17] : memref<16384x128xf32, #tpu.memory_space<hbm>> -> memref<512x128xf32, #tpu.memory_space<hbm>>
      tpu.wait_dma2 semaphore(%run_scoped3A : memref<!tpu.dma_semaphore, #tpu.memory_space<semaphore_mem>>) src(%dma_wait3A_18 : memref<512x128xf32, #tpu.memory_space<hbm>>) dst(%arg7 : memref<512x128xf32, #tpu.memory_space<vmem>>)
      tpu.yield
    }) : () -> ()
    %barrier3A = arith.constant 0 : index
    tpu.barrier barrier_id(%barrier3A)
    "tpu.region"() ({
      %run_scoped3A = tpu.sem_alloc : memref<!tpu.dma_semaphore, #tpu.memory_space<semaphore_mem>>
      %dma_start3A = arith.constant 0 : i32
      %dma_start3A_13 = arith.constant 0 : i32
      %dma_start3A_14 = tpu.memref_slice %arg8[%dma_start3A, %dma_start3A_13] : memref<1024x128xf32, #tpu.memory_space<vmem_shared>> -> memref<1024x128xf32, #tpu.memory_space<vmem_shared>>
      tpu.enqueue_indirect_dma source(%arg7 : memref<512x128xf32, #tpu.memory_space<vmem>>) target(%dma_start3A_14 : memref<1024x128xf32, #tpu.memory_space<vmem_shared>>) offsets(%arg6 : memref<512xi32, #tpu.memory_space<vmem>>) semaphore(%run_scoped3A : memref<!tpu.dma_semaphore, #tpu.memory_space<semaphore_mem>>) {add = true}
      %dma_wait3A = arith.constant 0 : i32
      %dma_wait3A_15 = arith.constant 0 : i32
      %dma_wait3A_16 = tpu.memref_slice %arg8[%dma_wait3A, %dma_wait3A_15] : memref<1024x128xf32, #tpu.memory_space<vmem_shared>> -> memref<1024x128xf32, #tpu.memory_space<vmem_shared>>
      tpu.wait_indirect_dma semaphore(%run_scoped3A : memref<!tpu.dma_semaphore, #tpu.memory_space<semaphore_mem>>) src(%arg7 : memref<512x128xf32, #tpu.memory_space<vmem>>) dst(%dma_wait3A_16 : memref<1024x128xf32, #tpu.memory_space<vmem_shared>>)
      tpu.yield
    }) : () -> ()
    %barrier3A_5 = arith.constant 0 : index
    tpu.barrier barrier_id(%barrier3A_5)
    %mul3A_6 = arith.constant 64 : i32
    %mul3A_7 = arith.muli %arg1, %mul3A_6 : i32
    %mul3A_8 = arith.constant 1024 : i32
    %mul3A_9 = arith.muli %arg0, %mul3A_8 : i32
    %mul3A_10 = arith.constant 64 : i32
    %mul3A_11 = arith.muli %arg1, %mul3A_10 : i32
    %add3A_12 = arith.addi %mul3A_9, %mul3A_11 : i32
    "tpu.region"() ({
      %run_scoped3A = tpu.sem_alloc : memref<!tpu.dma_semaphore, #tpu.memory_space<semaphore_mem>>
      %dma_start3A = arith.constant 0 : i32
      %dma_start3A_13 = tpu.memref_slice %arg5[%add3A_12, %dma_start3A] : memref<2048x128xf32, #tpu.memory_space<hbm>> -> memref<64x128xf32, #tpu.memory_space<hbm>>
      %dma_start3A_14 = arith.constant 0 : i32
      %dma_start3A_15 = tpu.memref_slice %arg8[%mul3A_7, %dma_start3A_14] : memref<1024x128xf32, #tpu.memory_space<vmem_shared>> -> memref<64x128xf32, #tpu.memory_space<vmem_shared>>
      tpu.enqueue_dma source(%dma_start3A_15 : memref<64x128xf32, #tpu.memory_space<vmem_shared>>) target(%dma_start3A_13 : memref<64x128xf32, #tpu.memory_space<hbm>>) target_semaphore(%run_scoped3A : memref<!tpu.dma_semaphore, #tpu.memory_space<semaphore_mem>>)
      %dma_wait3A = arith.constant 0 : i32
      %dma_wait3A_16 = tpu.memref_slice %arg5[%add3A_12, %dma_wait3A] : memref<2048x128xf32, #tpu.memory_space<hbm>> -> memref<64x128xf32, #tpu.memory_space<hbm>>
      %dma_wait3A_17 = arith.constant 0 : i32
      %dma_wait3A_18 = tpu.memref_slice %arg8[%mul3A_7, %dma_wait3A_17] : memref<1024x128xf32, #tpu.memory_space<vmem_shared>> -> memref<64x128xf32, #tpu.memory_space<vmem_shared>>
      tpu.wait_dma2 semaphore(%run_scoped3A : memref<!tpu.dma_semaphore, #tpu.memory_space<semaphore_mem>>) src(%dma_wait3A_18 : memref<64x128xf32, #tpu.memory_space<vmem_shared>>) dst(%dma_wait3A_16 : memref<64x128xf32, #tpu.memory_space<hbm>>)
      tpu.yield
    }) : () -> ()
    return
  }
}

module attributes {stable_mosaic.version = 14 : i64} {
  func.func @_enc_body(%arg0: i32, %arg1: memref<1024x768xf32, #tpu.memory_space<vmem>>, %arg2: memref<768x128xf32, #tpu.memory_space<vmem>>, %arg3: memref<1x128xf32, #tpu.memory_space<vmem>>, %arg4: memref<128x128xf32, #tpu.memory_space<vmem>>, %arg5: memref<1x128xf32, #tpu.memory_space<vmem>>, %arg6: memref<128x1024xf32, #tpu.memory_space<vmem>>, %arg7: memref<1024x128xf32, #tpu.memory_space<vmem>>, %arg8: memref<1024x1xi32, #tpu.memory_space<vmem>>) attributes {dimension_semantics = [#tpu.dimension_semantics<arbitrary>], iteration_bounds = array<i64: 16>, scalar_prefetch = 0 : i64, scratch_operands = 0 : i64, tpu.core_type = #tpu.core_type<tc>, window_params = [{transform_indices = @transform_0, window_bounds = array<i64: 1024, 768>}, {pipeline_mode = #tpu.pipeline_mode<synchronous>, transform_indices = @transform_1, window_bounds = array<i64: 768, 128>}, {pipeline_mode = #tpu.pipeline_mode<synchronous>, transform_indices = @transform_2, window_bounds = array<i64: 1, 128>}, {pipeline_mode = #tpu.pipeline_mode<synchronous>, transform_indices = @transform_3, window_bounds = array<i64: 128, 128>}, {pipeline_mode = #tpu.pipeline_mode<synchronous>, transform_indices = @transform_4, window_bounds = array<i64: 1, 128>}, {pipeline_mode = #tpu.pipeline_mode<synchronous>, transform_indices = @transform_5, window_bounds = array<i64: 128, 1024>}, {transform_indices = @transform_6, window_bounds = array<i64: 1024, 128>}, {transform_indices = @transform_7, window_bounds = array<i64: 1024, 1>}]} {
    %get3A = arith.constant 0 : index
    %get3A_0 = arith.constant 0 : index
    %get3A_1 = vector.load %arg1[%get3A, %get3A_0] : memref<1024x768xf32, #tpu.memory_space<vmem>>, vector<1024x768xf32>
    %get3A_2 = arith.constant 0 : index
    %get3A_3 = arith.constant 0 : index
    %get3A_4 = vector.load %arg2[%get3A_2, %get3A_3] : memref<768x128xf32, #tpu.memory_space<vmem>>, vector<768x128xf32>
    %dot_general3A = arith.constant dense<0.000000e+00> : vector<1024x128xf32>
    %dot_general3A_5 = tpu.matmul %get3A_1, %get3A_4, %dot_general3A {dimension_numbers = #tpu.dot_dimension_numbers<[1], [0], [0], [1], [0, 0, 1, 1], [], []>, transpose_lhs_hint = false} : vector<1024x768xf32>, vector<768x128xf32>, vector<1024x128xf32> -> vector<1024x128xf32>
    %get3A_6 = arith.constant 0 : index
    %get3A_7 = arith.constant 0 : index
    %get3A_8 = vector.load %arg3[%get3A_6, %get3A_7] : memref<1x128xf32, #tpu.memory_space<vmem>>, vector<1x128xf32>
    %add3A = vector.broadcast %get3A_8 : vector<1x128xf32> to vector<1024x128xf32>
    %add3A_9 = arith.addf %dot_general3A_5, %add3A : vector<1024x128xf32>
    %max3A = arith.constant 0.000000e+00 : f32
    %max3A_10 = vector.broadcast %max3A : f32 to vector<1024x128xf32>
    %max3A_11 = arith.maximumf %add3A_9, %max3A_10 : vector<1024x128xf32>
    %get3A_12 = arith.constant 0 : index
    %get3A_13 = arith.constant 0 : index
    %get3A_14 = vector.load %arg4[%get3A_12, %get3A_13] : memref<128x128xf32, #tpu.memory_space<vmem>>, vector<128x128xf32>
    %dot_general3A_15 = arith.constant dense<0.000000e+00> : vector<1024x128xf32>
    %dot_general3A_16 = tpu.matmul %max3A_11, %get3A_14, %dot_general3A_15 {dimension_numbers = #tpu.dot_dimension_numbers<[1], [0], [0], [1], [0, 0, 1, 1], [], []>, transpose_lhs_hint = false} : vector<1024x128xf32>, vector<128x128xf32>, vector<1024x128xf32> -> vector<1024x128xf32>
    %get3A_17 = arith.constant 0 : index
    %get3A_18 = arith.constant 0 : index
    %get3A_19 = vector.load %arg5[%get3A_17, %get3A_18] : memref<1x128xf32, #tpu.memory_space<vmem>>, vector<1x128xf32>
    %add3A_20 = vector.broadcast %get3A_19 : vector<1x128xf32> to vector<1024x128xf32>
    %add3A_21 = arith.addf %dot_general3A_16, %add3A_20 : vector<1024x128xf32>
    %swap3A = arith.constant 0 : index
    %swap3A_22 = arith.constant 0 : index
    %swap3A_23 = vector.load %arg7[%swap3A, %swap3A_22] : memref<1024x128xf32, #tpu.memory_space<vmem>>, vector<1024x128xf32>
    tpu.vector_store %arg7[%swap3A, %swap3A_22], %add3A_21 {strides = array<i32>} : memref<1024x128xf32, #tpu.memory_space<vmem>>, vector<1024x128xf32>,
    %get3A_24 = arith.constant 0 : index
    %get3A_25 = arith.constant 0 : index
    %get3A_26 = vector.load %arg6[%get3A_24, %get3A_25] : memref<128x1024xf32, #tpu.memory_space<vmem>>, vector<128x1024xf32>
    %mul3A = arith.mulf %get3A_26, %get3A_26 : vector<128x1024xf32>
    %reduce_sum3A = arith.constant dense<0.000000e+00> : vector<1024xf32>
    %reduce_sum3A_27 = vector.multi_reduction <add>, %mul3A, %reduce_sum3A [0] : vector<128x1024xf32> to vector<1024xf32>
    %broadcast_in_dim3A = vector.shape_cast %reduce_sum3A_27 : vector<1024xf32> to vector<1x1024xf32>
    %sqrt3A = math.sqrt %broadcast_in_dim3A : vector<1x1024xf32>
    %max3A_28 = arith.constant 1.000000e-30 : f32
    %max3A_29 = vector.broadcast %max3A_28 : f32 to vector<1x1024xf32>
    %max3A_30 = arith.maximumf %sqrt3A, %max3A_29 : vector<1x1024xf32>
    %div3A = arith.constant 1.000000e+00 : f32
    %div3A_31 = vector.broadcast %div3A : f32 to vector<1x1024xf32>
    %div3A_32 = arith.divf %div3A_31, %max3A_30 : vector<1x1024xf32>
    %dot_general3A_33 = arith.constant dense<0.000000e+00> : vector<1024x1024xf32>
    %dot_general3A_34 = tpu.matmul %add3A_21, %get3A_26, %dot_general3A_33 {dimension_numbers = #tpu.dot_dimension_numbers<[1], [0], [0], [1], [0, 0, 1, 1], [], []>, transpose_lhs_hint = false} : vector<1024x128xf32>, vector<128x1024xf32>, vector<1024x1024xf32> -> vector<1024x1024xf32>
    %mul3A_35 = vector.broadcast %div3A_32 : vector<1x1024xf32> to vector<1024x1024xf32>
    %mul3A_36 = arith.mulf %dot_general3A_34, %mul3A_35 : vector<1024x1024xf32>
    %reduce_max3A = arith.constant dense<0xFF800000> : vector<1024xf32>
    %reduce_max3A_37 = vector.multi_reduction <maximumf>, %mul3A_36, %reduce_max3A [1] : vector<1024x1024xf32> to vector<1024xf32>
    %broadcast_in_dim3A_38 = vector.shape_cast %reduce_max3A_37 : vector<1024xf32> to vector<1024x1xf32>
    %iota3A = tpu.iota {dimensions = array<i32: 1>} : vector<1024x1024xi32>
    %eq3A = vector.broadcast %broadcast_in_dim3A_38 : vector<1024x1xf32> to vector<1024x1024xf32>
    %eq3A_39 = arith.cmpf oeq, %mul3A_36, %eq3A : vector<1024x1024xf32>
    %jit3A = arith.constant 1024 : i32
    %broadcast_in_dim3A_40 = vector.broadcast %jit3A : i32 to vector<1024x1024xi32>
    %select_n3A = arith.select %eq3A_39, %iota3A, %broadcast_in_dim3A_40 : vector<1024x1024xi1>, vector<1024x1024xi32>
    %reduce_min3A = arith.constant dense<2147483647> : vector<1024xi32>
    %reduce_min3A_41 = vector.multi_reduction <minsi>, %select_n3A, %reduce_min3A [1] : vector<1024x1024xi32> to vector<1024xi32>
    %broadcast_in_dim3A_42 = vector.shape_cast %reduce_min3A_41 : vector<1024xi32> to vector<1024x1xi32>
    %swap3A_43 = arith.constant 0 : index
    %swap3A_44 = arith.constant 0 : index
    %swap3A_45 = vector.load %arg8[%swap3A_43, %swap3A_44] : memref<1024x1xi32, #tpu.memory_space<vmem>>, vector<1024x1xi32>
    tpu.vector_store %arg8[%swap3A_43, %swap3A_44], %broadcast_in_dim3A_42 {strides = array<i32>} : memref<1024x1xi32, #tpu.memory_space<vmem>>, vector<1024x1xi32>,
    return
  }
  func.func @transform_0(%arg0: i32) -> (i32, i32) {
    %c0_i32 = arith.constant 0 : i32
    %c0_i32_0 = arith.constant 0 : i32
    return %arg0, %c0_i32 : i32, i32
  }
  func.func @transform_1(%arg0: i32) -> (i32, i32) {
    %c0_i32 = arith.constant 0 : i32
    %c0_i32_0 = arith.constant 0 : i32
    %c0_i32_1 = arith.constant 0 : i32
    return %c0_i32, %c0_i32_0 : i32, i32
  }
  func.func @transform_2(%arg0: i32) -> (i32, i32) {
    %c0_i32 = arith.constant 0 : i32
    %c0_i32_0 = arith.constant 0 : i32
    %c0_i32_1 = arith.constant 0 : i32
    return %c0_i32, %c0_i32_0 : i32, i32
  }
  func.func @transform_3(%arg0: i32) -> (i32, i32) {
    %c0_i32 = arith.constant 0 : i32
    %c0_i32_0 = arith.constant 0 : i32
    %c0_i32_1 = arith.constant 0 : i32
    return %c0_i32, %c0_i32_0 : i32, i32
  }
  func.func @transform_4(%arg0: i32) -> (i32, i32) {
    %c0_i32 = arith.constant 0 : i32
    %c0_i32_0 = arith.constant 0 : i32
    %c0_i32_1 = arith.constant 0 : i32
    return %c0_i32, %c0_i32_0 : i32, i32
  }
  func.func @transform_5(%arg0: i32) -> (i32, i32) {
    %c0_i32 = arith.constant 0 : i32
    %c0_i32_0 = arith.constant 0 : i32
    %c0_i32_1 = arith.constant 0 : i32
    return %c0_i32, %c0_i32_0 : i32, i32
  }
  func.func @transform_6(%arg0: i32) -> (i32, i32) {
    %c0_i32 = arith.constant 0 : i32
    %c0_i32_0 = arith.constant 0 : i32
    return %arg0, %c0_i32 : i32, i32
  }
  func.func @transform_7(%arg0: i32) -> (i32, i32) {
    %c0_i32 = arith.constant 0 : i32
    %c0_i32_0 = arith.constant 0 : i32
    return %arg0, %c0_i32 : i32, i32
  }
}

module attributes {stable_mosaic.version = 14 : i64} {
  func.func @_upd_body(%arg0: memref<1024x128xf32, #tpu.memory_space<vmem>>, %arg1: memref<1024x128xf32, #tpu.memory_space<vmem>>, %arg2: memref<1024x128xf32, #tpu.memory_space<vmem>>, %arg3: memref<1024x1xf32, #tpu.memory_space<vmem>>, %arg4: memref<1024x128xf32, #tpu.memory_space<vmem>>, %arg5: memref<1024x1xf32, #tpu.memory_space<vmem>>, %arg6: memref<1x1xi32, #tpu.memory_space<vmem>>, %arg7: memref<1x1xf32, #tpu.memory_space<vmem>>) attributes {dimension_semantics = [], scalar_prefetch = 0 : i64, scratch_operands = 0 : i64, tpu.core_type = #tpu.core_type<tc>} {
    %get3A = arith.constant 0 : index
    %get3A_0 = arith.constant 0 : index
    %get3A_1 = vector.load %arg0[%get3A, %get3A_0] : memref<1024x128xf32, #tpu.memory_space<vmem>>, vector<1024x128xf32>
    %get3A_2 = arith.constant 0 : index
    %get3A_3 = arith.constant 0 : index
    %get3A_4 = vector.load %arg1[%get3A_2, %get3A_3] : memref<1024x128xf32, #tpu.memory_space<vmem>>, vector<1024x128xf32>
    %add3A = arith.addf %get3A_1, %get3A_4 : vector<1024x128xf32>
    %iota3A = tpu.iota {dimensions = array<i32: 1>} : vector<1024x128xi32>
    %eq3A = arith.constant 64 : i32
    %eq3A_5 = vector.broadcast %eq3A : i32 to vector<1024x128xi32>
    %eq3A_6 = arith.cmpi eq, %iota3A, %eq3A_5 : vector<1024x128xi32>
    %jit3A = arith.constant 0.000000e+00 : f32
    %broadcast_in_dim3A = vector.broadcast %jit3A : f32 to vector<1024x128xf32>
    %select_n3A = arith.select %eq3A_6, %add3A, %broadcast_in_dim3A : vector<1024x128xi1>, vector<1024x128xf32>
    %reduce_sum3A = arith.constant dense<0.000000e+00> : vector<1024xf32>
    %reduce_sum3A_7 = vector.multi_reduction <add>, %select_n3A, %reduce_sum3A [1] : vector<1024x128xf32> to vector<1024xf32>
    %broadcast_in_dim3A_8 = vector.shape_cast %reduce_sum3A_7 : vector<1024xf32> to vector<1024x1xf32>
    %max3A = arith.constant 1.000000e+00 : f32
    %max3A_9 = vector.broadcast %max3A : f32 to vector<1024x1xf32>
    %max3A_10 = arith.maximumf %broadcast_in_dim3A_8, %max3A_9 : vector<1024x1xf32>
    %div3A = vector.broadcast %max3A_10 : vector<1024x1xf32> to vector<1024x128xf32>
    %div3A_11 = arith.divf %add3A, %div3A : vector<1024x128xf32>
    %gt3A = arith.constant 0.000000e+00 : f32
    %gt3A_12 = vector.broadcast %gt3A : f32 to vector<1024x1xf32>
    %gt3A_13 = arith.cmpf ogt, %broadcast_in_dim3A_8, %gt3A_12 : vector<1024x1xf32>
    %lt3A = arith.constant 64 : i32
    %lt3A_14 = vector.broadcast %lt3A : i32 to vector<1024x128xi32>
    %lt3A_15 = arith.cmpi slt, %iota3A, %lt3A_14 : vector<1024x128xi32>
    %and3A = vector.broadcast %gt3A_13 : vector<1024x1xi1> to vector<1024x128xi1>
    %and3A_16 = arith.andi %and3A, %lt3A_15 : vector<1024x128xi1>
    %get3A_17 = arith.constant 0 : index
    %get3A_18 = arith.constant 0 : index
    %get3A_19 = vector.load %arg2[%get3A_17, %get3A_18] : memref<1024x128xf32, #tpu.memory_space<vmem>>, vector<1024x128xf32>
    %sub3A = arith.subf %div3A_11, %get3A_19 : vector<1024x128xf32>
    %mul3A = arith.constant 0.00999999977 : f32
    %mul3A_20 = vector.broadcast %mul3A : f32 to vector<1024x128xf32>
    %mul3A_21 = arith.mulf %mul3A_20, %sub3A : vector<1024x128xf32>
    %jit3A_22 = arith.constant 0.000000e+00 : f32
    %broadcast_in_dim3A_23 = vector.broadcast %jit3A_22 : f32 to vector<1024x128xf32>
    %select_n3A_24 = arith.select %and3A_16, %mul3A_21, %broadcast_in_dim3A_23 : vector<1024x128xi1>, vector<1024x128xf32>
    %get3A_25 = arith.constant 0 : index
    %get3A_26 = arith.constant 0 : index
    %get3A_27 = vector.load %arg2[%get3A_25, %get3A_26] : memref<1024x128xf32, #tpu.memory_space<vmem>>, vector<1024x128xf32>
    %add3A_28 = arith.addf %get3A_27, %select_n3A_24 : vector<1024x128xf32>
    %swap3A = arith.constant 0 : index
    %swap3A_29 = arith.constant 0 : index
    %swap3A_30 = vector.load %arg4[%swap3A, %swap3A_29] : memref<1024x128xf32, #tpu.memory_space<vmem>>, vector<1024x128xf32>
    tpu.vector_store %arg4[%swap3A, %swap3A_29], %add3A_28 {strides = array<i32>} : memref<1024x128xf32, #tpu.memory_space<vmem>>, vector<1024x128xf32>,
    %get3A_31 = arith.constant 0 : index
    %get3A_32 = arith.constant 0 : index
    %get3A_33 = vector.load %arg3[%get3A_31, %get3A_32] : memref<1024x1xf32, #tpu.memory_space<vmem>>, vector<1024x1xf32>
    %add3A_34 = arith.addf %get3A_33, %broadcast_in_dim3A_8 : vector<1024x1xf32>
    %swap3A_35 = arith.constant 0 : index
    %swap3A_36 = arith.constant 0 : index
    %swap3A_37 = vector.load %arg5[%swap3A_35, %swap3A_36] : memref<1024x1xf32, #tpu.memory_space<vmem>>, vector<1024x1xf32>
    tpu.vector_store %arg5[%swap3A_35, %swap3A_36], %add3A_34 {strides = array<i32>} : memref<1024x1xf32, #tpu.memory_space<vmem>>, vector<1024x1xf32>,
    %mul3A_38 = arith.mulf %select_n3A_24, %select_n3A_24 : vector<1024x128xf32>
    %reduce_sum3A_39 = arith.constant dense<0.000000e+00> : vector<1024xf32>
    %reduce_sum3A_40 = vector.multi_reduction <add>, %mul3A_38, %reduce_sum3A_39 [1] : vector<1024x128xf32> to vector<1024xf32>
    %broadcast_in_dim3A_41 = vector.shape_cast %reduce_sum3A_40 : vector<1024xf32> to vector<1024x1xf32>
    %sqrt3A = math.sqrt %broadcast_in_dim3A_41 : vector<1024x1xf32>
    %convert_element_type3A = arith.extui %gt3A_13 : vector<1024x1xi1> to vector<1024x1xi32>
    %convert_element_type3A_42 = arith.sitofp %convert_element_type3A : vector<1024x1xi32> to vector<1024x1xf32>
    %reduce_sum3A_43 = arith.constant dense<0.000000e+00> : vector<1xf32>
    %reduce_sum3A_44 = vector.multi_reduction <add>, %convert_element_type3A_42, %reduce_sum3A_43 [0] : vector<1024x1xf32> to vector<1xf32>
    %broadcast_in_dim3A_45 = vector.shape_cast %reduce_sum3A_44 : vector<1xf32> to vector<1x1xf32>
    %convert_element_type3A_46 = arith.fptosi %broadcast_in_dim3A_45 : vector<1x1xf32> to vector<1x1xi32>
    %swap3A_47 = arith.constant 0 : index
    %swap3A_48 = arith.constant 0 : index
    %swap3A_49 = vector.load %arg6[%swap3A_47, %swap3A_48] : memref<1x1xi32, #tpu.memory_space<vmem>>, vector<1x1xi32>
    tpu.vector_store %arg6[%swap3A_47, %swap3A_48], %convert_element_type3A_46 {strides = array<i32>} : memref<1x1xi32, #tpu.memory_space<vmem>>, vector<1x1xi32>,
    %jit3A_50 = arith.constant 0.000000e+00 : f32
    %broadcast_in_dim3A_51 = vector.broadcast %jit3A_50 : f32 to vector<1024x1xf32>
    %select_n3A_52 = arith.select %gt3A_13, %sqrt3A, %broadcast_in_dim3A_51 : vector<1024x1xi1>, vector<1024x1xf32>
    %reduce_sum3A_53 = arith.constant dense<0.000000e+00> : vector<1xf32>
    %reduce_sum3A_54 = vector.multi_reduction <add>, %select_n3A_52, %reduce_sum3A_53 [0] : vector<1024x1xf32> to vector<1xf32>
    %broadcast_in_dim3A_55 = vector.shape_cast %reduce_sum3A_54 : vector<1xf32> to vector<1x1xf32>
    %max3A_56 = arith.constant 1.000000e+00 : f32
    %max3A_57 = vector.broadcast %max3A_56 : f32 to vector<1x1xf32>
    %max3A_58 = arith.maximumf %broadcast_in_dim3A_45, %max3A_57 : vector<1x1xf32>
    %div3A_59 = arith.divf %broadcast_in_dim3A_55, %max3A_58 : vector<1x1xf32>
    %swap3A_60 = arith.constant 0 : index
    %swap3A_61 = arith.constant 0 : index
    %swap3A_62 = vector.load %arg7[%swap3A_60, %swap3A_61] : memref<1x1xf32, #tpu.memory_space<vmem>>, vector<1x1xf32>
    tpu.vector_store %arg7[%swap3A_60, %swap3A_61], %div3A_59 {strides = array<i32>} : memref<1x1xf32, #tpu.memory_space<vmem>>, vector<1x1xf32>,
    return
  }
}

</mosaic_0001>

<sc_bundles>
// kernel: kernel.5.cloned.1.call-start
scs
__scs_entry_jumppad:
0x0: {  	(pc) =	sbr.rel $0x88, $3  }
0x1: {  	(tag) =	ssettag $0x0;
	lr =	simm.s32 $0x1  }
0x2: {  	[smem:$0x3F9A] =	sst lr;
	_ =	strace $0xD0000000  }
0x3: {  	_ = 	snop  }
0x4: {  	_ = 	snop  }
0x5: {  	_ = 	snop  }
0x6: {  	_ = 	snop  }
0x7: {  	_ = 	snop  }
__scs_overlays_trampoline_lowered:
0x8: {  	[smem:$0x3FA9] =	sst s0  }
0x9: {  	[smem:$0x3FAA] =	sst s1  }
0xa: {  	[smem:$0x3FAB] =	sst s2  }
0xb: {  	[smem:$0x3FAC] =	sst s3  }
0xc: {  	[smem:$0x3FAD] =	sst s4  }
0xd: {  	[smem:$0x3FAE] =	sst s5  }
0xe: {  	[smem:$0x3FAF] =	sst s6  }
0xf: {  	[smem:$0x3FB0] =	sst s7  }
0x10: {  	[smem:$0x3FB1] =	sst s8  }
0x11: {  	[smem:$0x3FB2] =	sst s9;
	s0 =	simm.s32 @!p0 $0x0  }
0x12: {  	s1 =	sld [smem:$0x3F98];
	s0 =	simm.s32 @p0 $0x1  }
0x13: {  	[smem:$0x3FB3] =	sst s0;
	s0 =	simm.s32 @!p1 $0x0  }
0x14: {  	s2 =	sld [smem:$0x3F97];
	s0 =	simm.s32 @p1 $0x1  }
0x15: {  	[smem:$0x3FB4] =	sst s0;
	s0 =	simm.s32 @!p2 $0x0  }
0x16: {  	s3 =	sld [smem:$0x3FDB];
	s0 =	simm.s32 @p2 $0x1  }
0x17: {  	s4 =	simm.s32 $0x1BF5;
	[smem:$0x3FB6] =	sst s0  }
0x18: {  	s0 =	sld [smem:$0x3F99];
	_ =	swait.ge [sflag:s4], $0x0  }
0x19: {  	s7 =	sld [smem:$0x3F9A]  }
0x1a: {  	s8 =	sadd.s32 $0xFFFFE003, lr  }
0x1b: {  	s9 =	sadd.s32 $0xFFFFFEF7, lr;
	s5 =	simm.s32 $0xFFFFFFFF;
	p2 =	slt.u32 s8, $0xFFFFF086  }
0x1c: {  	p1 =	slt.u32 s9, $0xF7A;
	s5 =	simm.s32 @!p2 $0x0  }
0x1d: {  	s5 =	simm.s32 @p1 $0x1;
	p0 =	seq.s32 s7, s2  }
0x1e: {  	s7 =	smul.u32 @!p0 $0xF7A, s2;
	p2 =	seq.s32 @!p0 s5, $0x0  }
0x1f: {  	s9 =	smul.u32 $0xF7A, s1;
	s8 =	simm.s32 @!p0 $0x1BF5;
	p2 =	por !p2, p0  }
0x20: {  	[sflag:s8] =	ssyncset.s32 @!p0 $0xFFFFF086;
	s6 =	sadd.s32 @!p0 s3, s7;
	s7 =	simm.s32 @!p0 $0x108  }
0x21: {  	s3 =	sadd.s32 s3, s9;
	s6 =	sadd.s32 @!p0 $0x88, s6;
	s7 =	simm.s32 @p2 $0x1082  }
0x22: {  	[simem:s7], [sflag:s8] =	dma.local @!p0 [hbm:s6], $0xF7A  }
0x23: {  	s9 =	sor.u32 $0xD0000000, s2;
	s6 =	simm.s32 $0x108;
	_ =	swait.ge @!p0 [sflag:s8], $0x0  }
0x24: {  	s3 =	sadd.s32 $0x88, s3;
	s6 =	simm.s32 @!p1 $0x1082;
	[sflag:s4] =	ssyncset.s32 $0xFFFFF086  }
0x25: {  	[simem:s6], [sflag:s4] =	dma.local [hbm:s3], $0xF7A  }
0x26: {  	[smem:$0x3F9A] =	sst s1;
	(tag) =	ssettag s2;
	_ =	strace s9  }
0x27: {  	s1 =	sld [smem:$0x3FAA]  }
0x28: {  	s2 =	sld [smem:$0x3FAB]  }
0x29: {  	s4 =	sld [smem:$0x3FAD]  }
0x2a: {  	p0 =	seq.s32 s5, $0x0;
	s5 =	sld [smem:$0x3FAE]  }
0x2b: {  	s6 =	sld [smem:$0x3FAF]  }
0x2c: {  	s7 =	sld [smem:$0x3FB0]  }
0x2d: {  	s3 =	simm.s32 $0x108;
	s8 =	sld [smem:$0x3FB1]  }
0x2e: {  	s3 =	simm.s32 @!p0 $0x1082;
	s9 =	sld [smem:$0x3FB2]  }
0x2f: {  	lr =	sadd.s32 s0, s3;
	s0 =	sld [smem:$0x3FA9]  }
0x30: {  	s3 =	sld [smem:$0x3FAC]  }
0x31: {  	[smem:$0x3FB5] =	sst s10  }
0x32: {  	s10 =	sld [smem:$0x3FB3];
	_ =	sdelay $0x3  }
0x33: {  	p0 =	seq.s32 s10, $0x1;
	s10 =	sld [smem:$0x3FB5];
	_ =	sdelay $0x3  }
0x34: {  	[smem:$0x3FB5] =	sst s10  }
0x35: {  	s10 =	sld [smem:$0x3FB4];
	_ =	sdelay $0x3  }
0x36: {  	p1 =	seq.s32 s10, $0x1;
	s10 =	sld [smem:$0x3FB5];
	_ =	sdelay $0x3  }
0x37: {  	[smem:$0x3FB5] =	sst s10  }
0x38: {  	s10 =	sld [smem:$0x3FB6]  }
0x39: {  	_ = 	snop;
	(pc) =	sbr.ind lr, $3  }
0x3a: {  	_ = 	snop  }
0x3b: {  	_ = 	snop  }
0x3c: {  	p2 =	seq.s32 s10, $0x1;
	s10 =	sld [smem:$0x3FB5]  }
0x3d: {  	_ =	shalt  }
0x3e: {  	_ =	shalt  }
0x3f: {  	_ =	shalt  }
0x40: {  	_ =	shalt  }
0x41: {  	_ =	shalt  }
0x42: {  	_ =	shalt  }
0x43: {  	_ =	shalt  }
0x44: {  	_ =	shalt  }
0x45: {  	_ =	shalt  }
0x46: {  	_ =	shalt  }
0x47: {  	_ =	shalt  }
0x48: {  	_ =	shalt  }
0x49: {  	_ =	shalt  }
0x4a: {  	_ =	shalt  }
0x4b: {  	_ =	shalt  }
0x4c: {  	_ =	shalt  }
0x4d: {  	_ =	shalt  }
0x4e: {  	_ =	shalt  }
0x4f: {  	_ =	shalt  }
0x50: {  	_ =	shalt  }
0x51: {  	_ =	shalt  }
0x52: {  	_ =	shalt  }
0x53: {  	_ =	shalt  }
0x54: {  	_ =	shalt  }
0x55: {  	_ =	shalt  }
0x56: {  	_ =	shalt  }
0x57: {  	_ =	shalt  }
0x58: {  	_ =	shalt  }
0x59: {  	_ =	shalt  }
0x5a: {  	_ =	shalt  }
0x5b: {  	_ =	shalt  }
0x5c: {  	_ =	shalt  }
0x5d: {  	_ =	shalt  }
0x5e: {  	_ =	shalt  }
0x5f: {  	_ =	shalt  }
0x60: {  	_ =	shalt  }
0x61: {  	_ =	shalt  }
0x62: {  	_ =	shalt  }
0x63: {  	_ =	shalt  }
0x64: {  	_ =	shalt  }
0x65: {  	_ =	shalt  }
0x66: {  	_ =	shalt  }
0x67: {  	_ =	shalt  }
0x68: {  	_ =	shalt  }
0x69: {  	_ =	shalt  }
0x6a: {  	_ =	shalt  }
0x6b: {  	_ =	shalt  }
0x6c: {  	_ =	shalt  }
0x6d: {  	_ =	shalt  }
0x6e: {  	_ =	shalt  }
0x6f: {  	_ =	shalt  }
0x70: {  	_ =	shalt  }
0x71: {  	_ =	shalt  }
0x72: {  	_ =	shalt  }
0x73: {  	_ =	shalt  }
0x74: {  	_ =	shalt  }
0x75: {  	_ =	shalt  }
0x76: {  	_ =	shalt  }
0x77: {  	_ =	shalt  }
0x78: {  	_ =	shalt  }
0x79: {  	_ =	shalt  }
0x7a: {  	_ =	shalt  }
0x7b: {  	_ =	shalt  }
0x7c: {  	_ =	shalt  }
0x7d: {  	_ =	shalt  }
0x7e: {  	_ =	shalt  }
0x7f: {  	_ =	shalt  }
0x80: {  	_ =	shalt  }
0x81: {  	_ =	shalt  }
0x82: {  	_ =	shalt  }
0x83: {  	_ =	shalt  }
0x84: {  	_ =	shalt  }
0x85: {  	_ =	shalt  }
0x86: {  	_ =	shalt  }
0x87: {  	_ =	shalt  }
.Lfunc_end0:
.L_simem_size_0:
called_computation_lowered:
.L_overlay_start_0:
0x88: {  	s2 =	sld [smem:$0x3FD9]  }
0x89: {  	s3 =	sld [smem:$0x3FFE];
	_ =	sdelay $0x1  }
0x8a: {  	s1 =	srdreg.scid  }
0x8b: {  	s0 =	sand.u32 $0x1, s1  }
0x8c: {  	s14 =	sshll.u32 s0, $0xA;
	s2 =	sadd.s32 s3, s2  }
0x8d: {  	s2 =	sadd.s32 s2, s14  }
0x8e: {  	[smem:$0x3FC1] =	sst s2  }
0x8f: {  	_ = 	snop  }
0x90: {  	s2 =	sld [smem:$0x3FD0];
	_ =	sdelay $0x2  }
0x91: {  	s15 =	simm.s32 $0xA;
	s4 =	simm.s32 $0x10  }
0x92: {  	[smem:s4], [sflag:s15] =	dma.local [hbm:s2], $0x1  }
0x93: {  	_ =	swait.eq [sflag:s15], $0x1  }
0x94: {  	[sflag:s15] =	ssyncset.done $0x0  }
0x95: {  	[sflag:s15] =	ssyncadd.s32 $0xFFFFFFFF  }
0x96: {  	s16 =	sld [smem:$0x10];
	(tm) =	ssettm $0x1  }
0x97: {  	s17 =	sld [smem:$0x3FFB];
	_ =	sdelay $0x3  }
0x98: {  	_ =	strace s17  }
0x99: {  	s3 =	sld [smem:$0x3FFC];
	_ =	sdelay $0x3  }
0x9a: {  	_ =	strace s3  }
0x9b: {  	s3 =	sld [smem:$0x3FFD];
	_ =	sdelay $0x3  }
0x9c: {  	_ =	strace s3  }
0x9d: {  	_ =	strace $0x8FFFFFFF  }
0x9e: {  	s18 =	sld [smem:$0x3FDB];
	_ =	sdelay $0x1  }
0x9f: {  	s19 =	simm.s32 $_scs_section_size  }
0xa0: {  	s5 =	simm.s32 $_size__tile_overlayer_lowered;
	s6 =	simm.s32 $_tile_overlayer_lowered  }
0xa1: {  	s22 =	simm.s32 $0x1BFF;
	s21 =	sshll.u32 s6, $0x1;
	s3 =	sadd.s32 s19, s18  }
0xa2: {  	s7 =	simm.s32 $0x0;
	s20 =	sshll.u32 s5, $0x1;
	s5 =	sadd.s32 s21, s3  }
0xa3: {  	[timem:s7], [sflag:s22] =	dma.local [hbm:s5], s20  }
0xa4: {  	_ =	swait.ge [sflag:s22], s20  }
0xa5: {  	s4 =	ssub.s32 $0x0, s20;
	[sflag:s22] =	ssyncset.done $0x0  }
0xa6: {  	[sflag:s22] =	ssyncadd.s32 s4;
	_ =	sdelay $0x1  }
0xa7: {  	s23 =	simm.s32 $0x1B8B  }
0xa8: {  	_ =	swait.ge [sflag:s23], $0x1  }
0xa9: {  	[sflag:s23] =	ssyncset.done $0x0  }
0xaa: {  	s25 =	simm.s32 $0x1B8E;
	s24 =	sld [smem:$0x3FFE];
	[sflag:s23] =	ssyncadd.s32 $0xFFFFFFFF  }
0xab: {  	s26 =	simm.s32 $execute0_lowered;
	[smem:$0x3FD2] =	sst s25  }
0xac: {  	s5 =	sshll.u32 s26, $0x1;
	_ =	strace $0x80000046;
	[dreg:$0x1] =	wrdreg $0xFFFFFFFF  }
0xad: {  	s28 =	simm.s32 $_size_execute0_lowered;
	s3 =	sadd.s32 s3, s5;
	[dreg:$0x0] =	wrdreg $0x0  }
0xae: {  	s5 =	sshll.u32 s28, $0x1;
	[dreg:$0x2] =	wrdreg s3  }
0xaf: {  	[dreg:$0x3] =	wrdreg s5  }
0xb0: {  	[dreg:$0x4] =	wrdreg $0xC0  }
0xb1: {  	_ =	task [dreg:s7], $0x5FFFF  }
0xb2: {  	[dreg:$0x1] =	wrdreg $0xFFFFFFFF  }
0xb3: {  	[dreg:$0x0] =	wrdreg $0x60  }
0xb4: {  	[dreg:$0x2] =	wrdreg s24  }
0xb5: {  	[dreg:$0x3] =	wrdreg s16  }
0xb6: {  	[dreg:$0x4] =	wrdreg $0x102000  }
0xb7: {  	[dreg:$0x5] =	wrdreg $0x9  }
0xb8: {  	_ =	task.clear_ibuf [dreg:s7], $0x6FFFF;
	_ =	strace $0x90000046  }
0xb9: {  	s29 =	simm.s32 $0x9;
	_ =	strace $0x80000048  }
0xba: {  	_ =	swait.ge [sflag:s29], $0x1  }
0xbb: {  	[sflag:s29] =	ssyncadd.s32 $0xFFFFFFFF  }
0xbc: {  	_ =	strace $0x90000048  }
0xbd: {  	_ =	sfence  }
0xbe: {  	s30 =	sld [smem:$0x0];
	_ =	sdelay $0x2  }
0xbf: {  	s31 =	sshll.u32 s1, $0xD;
	s1 =	sshrl.u32 s1, $0x2  }
0xc0: {  	s3 =	sand.u32 $0x4000, s31;
	s1 =	sadd.s32 s1, s30  }
0xc1: {  	s0 =	sor.u32 s3, s0;
	s1 =	sshll.u32 s1, $0x11  }
0xc2: {  	s0 =	sor.u32 s1, s0  }
0xc3: {  	s0 =	sadd.s32 $0x8F2B, s0  }
0xc4: {  	[sflag:s0] =	ssyncadd.remote.s32 $0x1  }
0xc5: {  	_ =	sfence.sel $0xFFFF  }
0xc6: {  	[dreg:$0x0] =	wrdreg $0xFFFFFFFF;
	(pc) =	sbr.abs _section_cstart, $3  }
0xc7: {  	[dreg:$0x1] =	wrdreg $0xFFFFFFFF  }
0xc8: {  	_ =	task.clear_ibuf [dreg:s7], $0x2FFFF;
	_ =	strace $0x9FFFFFFF  }
0xc9: {  	(tm) =	ssettm $0x7FFFFFFF  }
tec
execute0_lowered:
.L_overlay_start_1:
0x0: {  	(tag) =	ssettag $0x1  }
0x1: {  	s11 =	rddreg [dreg:$0x0]  }
0x2: {  	s8 =	rddreg [dreg:$0x1]  }
0x3: {  	s1 =	rddreg [dreg:$0x2]  }
0x4: {  	s0 =	rddreg [dreg:$0x3]  }
0x5: {  	s3 =	simm.s32 $0x0;
	s4 =	srdreg.scid;
	s2 =	stileid.u32  }
0x6: {  	[smem:$0x7FF] =	sst s3;
	s12 =	sand.u32 $0x1, s4;
	s4 =	sadd.s32 $0x40000, s11  }
0x7: {  	s5 =	sshll.u32 s2, $0xD;
	s10 =	sshll.u32 s2, $0x9;
	s29 =	sshll.u32 s2, $0x6  }
0x8: {  	_ =	strace $0x80000047;
	s9 =	sshll.u32 s12, $0xD;
	s6 =	sadd.s32 s5, s1  }
0x9: {  	s5 =	sor.u32 $0x1C01, s29;
	s7 =	sshrl.u32 s6, $0x3;
	s6 =	simm.s32 $0x1  }
0xa: {  	[spmem:s7], [sflag:s5] =	dma.local [hbm:s4], $0x400  }
0xb: {  	s9 =	sor.u32 s10, s9;
	_ =	swait.ge [sflag:s6], $0x400  }
0xc: {  	s10 =	sshrl.u32 s9, $0x3;
	[sflag:s6] =	ssyncset.done $0x0  }
0xd: {  	s8 =	sadd.s32 s8, s10;
	[sflag:s6] =	ssyncadd.s32 $0xFFFFFC00  }
0xe: {  	[tilespmem:s3], [sflag:$0x1] =	stream.linear.gather [hbm4b:s8+s3], $0x200, $0x38;
	[tilespmem:$0x12200] =	vst v63  }
0xf: {  	_ =	swait.ge [sflag:s6], $0x200  }
0x10: {  	s9 =	sshll.u32 s9, $0x4;
	[sflag:s6] =	ssyncset.done $0x0  }
0x11: {  	s9 =	sadd.s32 s11, s9;
	s10 =	simm.s32 $0x200;
	[sflag:s6] =	ssyncadd.s32 $0xFFFFFE00  }
0x12: {  	[tilespmem:s10], [sflag:$0x1] =	stream.linear.gather [hbm4b:s9+s3], $0x10000, $0x38;
	[tilespmem:$0x12200] =	vst v63  }
0x13: {  	_ =	swait.ge [sflag:s6], $0x10000  }
0x14: {  	s30 =	ssub.s32 $0x2, s12;
	[sflag:s6] =	ssyncset.done $0x0  }
0x15: {  	s13 =	sshll.u32 s2, $0xA;
	s14 =	sshrl.u32 s30, $0x1;
	[sflag:s6] =	ssyncadd.s32 $0xFFFF0000  }
0x16: {  	s11 =	sadd.s32 s13, s11;
	s13 =	ssub.s32 s30, s14;
	[bflag:$0x0] =	sbarrier.arrive $0xFFFF  }
0x17: {  	[spmem:s1] =	stream.indirect.scatter.add.f32 [tilespmem:s10], [sflag:$0x1], $0x80, s3, s10, $0xb8;
	[tilespmem:$0x12200] =	vst v63  }
0x18: {  	s31 =	smax.u32 s13, $0x1;
	_ =	swait.ge [sflag:s6], $0x10000  }
0x19: {  	s12 =	sshll.u32 s12, $0xE;
	p0 =	sne.s32 s31, $0x1;
	[sflag:s6] =	ssyncset.done $0x0  }
.Ltmp0:
0x1a: {  	s11 =	sadd.s32 s12, s11;
	[sflag:s6] =	ssyncadd.s32 $0xFFFF0000;
	(pc) =	sbr.rel @!p0 .LBB2_2-.Ltmp0, $4  }
0x1b: {  	s11 =	sadd.s32 $0x40400, s11;
	[bflag:$0x0] =	sbarrier.arrive $0xFFFF  }
0x1c: {  	[hbm:s11], [sflag:s5] =	dma.local [spmem:s7], $0x400  }
0x1d: {  	_ =	swait.ge [sflag:s6], $0x400  }
0x1e: {  	s12 =	sadd.s32 $0xFFFFFFFF, s31;
	[sflag:s6] =	ssyncset.done $0x0  }
.LBB2_1:
0x1f: {  	p0 =	sne.s32 s12, $0x1;
	s12 =	sadd.s32 $0xFFFFFFFF, s12;
	[sflag:s6] =	ssyncadd.s32 $0xFFFFFC00  }
0x20: {  	[spmem:s7], [sflag:s5] =	dma.local [hbm:s4], $0x400  }
0x21: {  	_ =	swait.ge [sflag:s6], $0x400  }
0x22: {  	[sflag:s6] =	ssyncset.done $0x0  }
0x23: {  	[sflag:s6] =	ssyncadd.s32 $0xFFFFFC00  }
0x24: {  	[tilespmem:s3], [sflag:$0x1] =	stream.linear.gather [hbm4b:s8+s3], $0x200, $0x38;
	[tilespmem:$0x12200] =	vst v63  }
0x25: {  	_ =	swait.ge [sflag:s6], $0x200  }
0x26: {  	[sflag:s6] =	ssyncset.done $0x0  }
0x27: {  	[sflag:s6] =	ssyncadd.s32 $0xFFFFFE00  }
0x28: {  	[tilespmem:s10], [sflag:$0x1] =	stream.linear.gather [hbm4b:s9+s3], $0x10000, $0x38;
	[tilespmem:$0x12200] =	vst v63  }
0x29: {  	_ =	swait.ge [sflag:s6], $0x10000  }
0x2a: {  	[sflag:s6] =	ssyncset.done $0x0  }
0x2b: {  	[sflag:s6] =	ssyncadd.s32 $0xFFFF0000  }
0x2c: {  	[bflag:$0x0] =	sbarrier.arrive $0xFFFF  }
0x2d: {  	[spmem:s1] =	stream.indirect.scatter.add.f32 [tilespmem:s10], [sflag:$0x1], $0x80, s3, s10, $0xb8;
	[tilespmem:$0x12200] =	vst v63  }
0x2e: {  	_ =	swait.ge [sflag:s6], $0x10000  }
0x2f: {  	[sflag:s6] =	ssyncset.done $0x0  }
.Ltmp1:
0x30: {  	[sflag:s6] =	ssyncadd.s32 $0xFFFF0000;
	(pc) =	sbr.rel @p0 .LBB2_1-.Ltmp1, $4  }
0x31: {  	[bflag:$0x0] =	sbarrier.arrive $0xFFFF  }
0x32: {  	[hbm:s11], [sflag:s5] =	dma.local [spmem:s7], $0x400  }
0x33: {  	_ =	swait.ge [sflag:s6], $0x400  }
0x34: {  	[sflag:s6] =	ssyncset.done $0x0  }
.LBB2_2:
0x35: {  	[sflag:s6] =	ssyncadd.s32 $0xFFFFFC00  }
0x36: {  	_ =	sfence.sel $0x180000  }
0x37: {  	[bflag:$0x0] =	sbarrier.arrive $0xFFFF  }
0x38: {  	p0 =	sne.s32 s2, $0x0;
	_ =	strace $0x90000047  }
0x39: {  	s0 =	sadd.s32 @!p0 $0x100000, s0;
	[bflag:$0x2] =	sbarrier.arrive $0xFFFF  }
0x3a: {  	[sflag:s0] =	ssyncadd.tile.s32 @!p0 $0x1;
	_ =	shalt  }
.Lfunc_end2:
_tile_overlayer_lowered:
.L_overlay_start_2:
0x3b: {  	(tag) =	ssettag $0x2  }
0x3c: {  	s0 =	rddreg [dreg:$0x0];
	s2 =	stileid.u32  }
0x3d: {  	s1 =	rddreg [dreg:$0x1];
	p0 =	sne.s32 s2, $0x0  }
0x3e: {  	s3 =	rddreg [dreg:$0x2];
	[bflag:$0x3] =	sbarrier.arrive $0xFFFF;
	s2 =	simm.s32 @!p0 $0x1C01  }
0x3f: {  	[timem:s3], [sflag:s2] =	dma.local @!p0 [hbm:s0], s1  }
0x40: {  	s0 =	simm.s32 @!p0 $0x1  }
0x41: {  	_ =	swait.ge @!p0 [sflag:s0], s1  }
0x42: {  	s1 =	ssub.s32 @!p0 $0x0, s1;
	[sflag:s0] =	ssyncset.done @!p0 $0x0  }
0x43: {  	[sflag:s0] =	ssyncadd.s32 @!p0 s1  }
0x44: {  	[bflag:$0x3] =	sbarrier.arrive $0xFFFF  }
0x45: {  	_ =	shalt  }

</sc_bundles>
